<compile_context>
chip_gen: v7x
topology: tpu7x:2x2x1
jax: 0.10.2.dev20260603
libtpu: 0.0.44.dev20260713+nightly
codegen_flags: <defaults>
</compile_context>

<pallas_src>
import functools
import math

import jax
import jax.numpy as jnp
from jax.experimental import pallas as pl
from jax.experimental.pallas import tpu as pltpu

NODE_DIM = 128
NUM_BASIS = 20
CUTOFF = 5.0
VOCAB = 100
PI = math.pi


def _edge_body(vx_ref, vy_ref, vz_ref, rbf_ref, fcut_ref, uvec_ref):
    vx = vx_ref[...]
    vy = vy_ref[...]
    vz = vz_ref[...]
    d2 = vx * vx + vy * vy + vz * vz
    inv = jax.lax.rsqrt(d2)
    d = d2 * inv
    x = (PI / CUTOFF) * d
    s1 = jnp.sin(x)
    c1 = jnp.cos(x)
    two_c = 2.0 * c1
    scale = math.sqrt(2.0 / CUTOFF) * inv
    terms = [s1 * scale]
    s_prev, s_cur = jnp.zeros_like(s1), s1
    for _ in range(NUM_BASIS - 1):
        s_prev, s_cur = s_cur, two_c * s_cur - s_prev
        terms.append(s_cur * scale)
    S = jnp.stack(terms, axis=1)
    rbf_ref[...] = jnp.transpose(S, (0, 2, 1))
    fc = 0.5 * (c1 + 1.0) * (d < CUTOFF).astype(jnp.float32)
    fcut_ref[...] = fc
    U = jnp.stack([vx * inv, vy * inv, vz * inv], axis=1)
    uvec_ref[...] = jnp.transpose(U, (0, 2, 1))


def _embed_body(ids_ref, tab_ref, out_ref):
    ids = ids_ref[...]
    lanes = jax.lax.broadcasted_iota(jnp.int32, (ids.shape[0], 128), 1)
    oh = (ids == lanes).astype(jnp.float32)
    out_ref[...] = jnp.dot(oh, tab_ref[...], preferred_element_type=jnp.float32)


@functools.partial(jax.jit, static_argnames=("interpret",))
def kernel(at_no, pos, edge_index, embed_table, interpret=False):
    E = edge_index.shape[1]
    N = at_no.shape[0]
    src, dst = edge_index[0], edge_index[1]
    px, py, pz = pos[:, 0], pos[:, 1], pos[:, 2]
    vx = jnp.take(px, dst) - jnp.take(px, src)
    vy = jnp.take(py, dst) - jnp.take(py, src)
    vz = jnp.take(pz, dst) - jnp.take(pz, src)
    ROWS = E // 128
    R = 40
    grid = ROWS // R
    vx2 = vx.reshape(ROWS, 128)
    vy2 = vy.reshape(ROWS, 128)
    vz2 = vz.reshape(ROWS, 128)
    rbf3, fcut2, uvec3 = pl.pallas_call(
        _edge_body,
        grid=(grid,),
        in_specs=[pl.BlockSpec((R, 128), lambda i: (i, 0))] * 3,
        out_specs=[
            pl.BlockSpec((R, 128, NUM_BASIS), lambda i: (i, 0, 0)),
            pl.BlockSpec((R, 128), lambda i: (i, 0)),
            pl.BlockSpec((R, 128, 3), lambda i: (i, 0, 0)),
        ],
        out_shape=[
            jax.ShapeDtypeStruct((ROWS, 128, NUM_BASIS), jnp.float32),
            jax.ShapeDtypeStruct((ROWS, 128), jnp.float32),
            jax.ShapeDtypeStruct((ROWS, 128, 3), jnp.float32),
        ],
        interpret=interpret,
    )(vx2, vy2, vz2)

    Bn = 2000
    tab = jnp.pad(embed_table, ((0, 128 - VOCAB), (0, 0)))
    ids2 = at_no.reshape(N, 1)
    x_scalar = pl.pallas_call(
        _embed_body,
        grid=(N // Bn,),
        in_specs=[
            pl.BlockSpec((Bn, 1), lambda i: (i, 0)),
            pl.BlockSpec((128, NODE_DIM), lambda i: (0, 0)),
        ],
        out_specs=pl.BlockSpec((Bn, NODE_DIM), lambda i: (i, 0)),
        out_shape=jax.ShapeDtypeStruct((N, NODE_DIM), jnp.float32),
        interpret=interpret,
    )(ids2, tab)

    return (
        x_scalar,
        rbf3.reshape(E, NUM_BASIS),
        fcut2.reshape(E, 1),
        uvec3.reshape(E, 3),
    )

# --- scband reference (transcript-rebuilt; emitter-appended) ---
"""Pipeline reference for scband-embedding-84387517432002 (READ-ONLY COPY).

The authoritative reference and input builder live on the scoring server;
editing this copy changes nothing except your own understanding.
"""

import jax, jax.numpy as jnp
import numpy as np

N_NODES = 100000
N_EDGES = 3200000
NODE_DIM = 128
NUM_BASIS = 20
CUTOFF = 5.0
VOCAB = 100


def setup_inputs(seed: int = 0) -> dict:
    key = jax.random.key(seed)
    k1, k2, k3, k4, k5 = jax.random.split(key, 5)
    at_no = jax.random.randint(k1, (N_NODES,), 0, VOCAB, dtype=jnp.int32)
    pos = jax.random.normal(k2, (N_NODES, 3), dtype=jnp.float32) * 3.0
    # build edge_index without self-loops so dist > 0 (avoids div-by-zero)
    src = jax.random.randint(k3, (N_EDGES,), 0, N_NODES, dtype=jnp.int32)
    off = jax.random.randint(k4, (N_EDGES,), 1, N_NODES, dtype=jnp.int32)
    dst = (src + off) % N_NODES
    edge_index = jnp.stack([src, dst], axis=0)
    # nn.Embedding(100, node_dim, padding_idx=0): row 0 is zeros
    embed_table = jax.random.normal(k5, (VOCAB, NODE_DIM), dtype=jnp.float32)
    embed_table = embed_table.at[0].set(0.0)
    return {"at_no": at_no, "pos": pos, "edge_index": edge_index, "embed_table": embed_table}


def reference(at_no, pos, edge_index, embed_table):
    # vec = pos[dst] - pos[src]  (two gathers over edges)
    vec = pos[edge_index[1]] - pos[edge_index[0]]
    dist = jnp.linalg.norm(vec, axis=-1, keepdims=True)  # [E, 1]
    # embedding lookup (gather)
    x_scalar = jnp.take(embed_table, at_no, axis=0)  # [N, node_dim]
    # Bessel RBF: sqrt(2/cutoff) * sin(n*pi*d/cutoff) / d, n = 1..num_basis
    n = jnp.arange(1, NUM_BASIS + 1, dtype=jnp.float32)  # [num_basis]
    rbf = jnp.sqrt(2.0 / CUTOFF) * jnp.sin(n * jnp.pi * dist / CUTOFF) / dist  # [E, num_basis]
    # Cosine cutoff: 0.5*(cos(pi*d/cutoff)+1) for d < cutoff else 0
    fcut = 0.5 * (jnp.cos(jnp.pi * dist / CUTOFF) + 1.0) * (dist < CUTOFF).astype(jnp.float32)  # [E, 1]
    uvec = vec / dist  # [E, 3]
    return (x_scalar, rbf, fcut, uvec)

if __name__ == "__main__":
    import jax
    _d = setup_inputs()
    print(jax.jit(kernel)(*tuple(_d.values())))

</pallas_src>

<mosaic_0001>
module attributes {stable_mosaic.version = 14 : i64} {
  func.func @_edge_body(%arg0: i32, %arg1: memref<40x128xf32, #tpu.memory_space<vmem>>, %arg2: memref<40x128xf32, #tpu.memory_space<vmem>>, %arg3: memref<40x128xf32, #tpu.memory_space<vmem>>, %arg4: memref<40x128x20xf32, #tpu.memory_space<vmem>>, %arg5: memref<40x128xf32, #tpu.memory_space<vmem>>, %arg6: memref<40x128x3xf32, #tpu.memory_space<vmem>>) attributes {dimension_semantics = [#tpu.dimension_semantics<arbitrary>], iteration_bounds = array<i64: 625>, scalar_prefetch = 0 : i64, scratch_operands = 0 : i64, tpu.core_type = #tpu.core_type<tc>, window_params = [{transform_indices = @transform_0, window_bounds = array<i64: 40, 128>}, {transform_indices = @transform_1, window_bounds = array<i64: 40, 128>}, {transform_indices = @transform_2, window_bounds = array<i64: 40, 128>}, {transform_indices = @transform_3, window_bounds = array<i64: 40, 128, 20>}, {transform_indices = @transform_4, window_bounds = array<i64: 40, 128>}, {transform_indices = @transform_5, window_bounds = array<i64: 40, 128, 3>}]} {
    %get3A = arith.constant 0 : index
    %get3A_0 = arith.constant 0 : index
    %get3A_1 = vector.load %arg1[%get3A, %get3A_0] : memref<40x128xf32, #tpu.memory_space<vmem>>, vector<40x128xf32>
    %get3A_2 = arith.constant 0 : index
    %get3A_3 = arith.constant 0 : index
    %get3A_4 = vector.load %arg2[%get3A_2, %get3A_3] : memref<40x128xf32, #tpu.memory_space<vmem>>, vector<40x128xf32>
    %get3A_5 = arith.constant 0 : index
    %get3A_6 = arith.constant 0 : index
    %get3A_7 = vector.load %arg3[%get3A_5, %get3A_6] : memref<40x128xf32, #tpu.memory_space<vmem>>, vector<40x128xf32>
    %mul3A = arith.mulf %get3A_1, %get3A_1 : vector<40x128xf32>
    %mul3A_8 = arith.mulf %get3A_4, %get3A_4 : vector<40x128xf32>
    %add3A = arith.addf %mul3A, %mul3A_8 : vector<40x128xf32>
    %mul3A_9 = arith.mulf %get3A_7, %get3A_7 : vector<40x128xf32>
    %add3A_10 = arith.addf %add3A, %mul3A_9 : vector<40x128xf32>
    %rsqrt3A = math.rsqrt %add3A_10 : vector<40x128xf32>
    %mul3A_11 = arith.mulf %add3A_10, %rsqrt3A : vector<40x128xf32>
    %mul3A_12 = arith.constant 0.628318548 : f32
    %mul3A_13 = vector.broadcast %mul3A_12 : f32 to vector<40x128xf32>
    %mul3A_14 = arith.mulf %mul3A_13, %mul3A_11 : vector<40x128xf32>
    %sin3A = math.sin %mul3A_14 : vector<40x128xf32>
    %cos3A = math.cos %mul3A_14 : vector<40x128xf32>
    %mul3A_15 = arith.constant 2.000000e+00 : f32
    %mul3A_16 = vector.broadcast %mul3A_15 : f32 to vector<40x128xf32>
    %mul3A_17 = arith.mulf %mul3A_16, %cos3A : vector<40x128xf32>
    %mul3A_18 = arith.constant 0.632455527 : f32
    %mul3A_19 = vector.broadcast %mul3A_18 : f32 to vector<40x128xf32>
    %mul3A_20 = arith.mulf %mul3A_19, %rsqrt3A : vector<40x128xf32>
    %mul3A_21 = arith.mulf %sin3A, %mul3A_20 : vector<40x128xf32>
    %broadcast_in_dim3A = arith.constant 0.000000e+00 : f32
    %broadcast_in_dim3A_22 = vector.broadcast %broadcast_in_dim3A : f32 to vector<40x128xf32>
    %mul3A_23 = arith.mulf %mul3A_17, %sin3A : vector<40x128xf32>
    %sub3A = arith.subf %mul3A_23, %broadcast_in_dim3A_22 : vector<40x128xf32>
    %mul3A_24 = arith.mulf %sub3A, %mul3A_20 : vector<40x128xf32>
    %mul3A_25 = arith.mulf %mul3A_17, %sub3A : vector<40x128xf32>
    %sub3A_26 = arith.subf %mul3A_25, %sin3A : vector<40x128xf32>
    %mul3A_27 = arith.mulf %sub3A_26, %mul3A_20 : vector<40x128xf32>
    %mul3A_28 = arith.mulf %mul3A_17, %sub3A_26 : vector<40x128xf32>
    %sub3A_29 = arith.subf %mul3A_28, %sub3A : vector<40x128xf32>
    %mul3A_30 = arith.mulf %sub3A_29, %mul3A_20 : vector<40x128xf32>
    %mul3A_31 = arith.mulf %mul3A_17, %sub3A_29 : vector<40x128xf32>
    %sub3A_32 = arith.subf %mul3A_31, %sub3A_26 : vector<40x128xf32>
    %mul3A_33 = arith.mulf %sub3A_32, %mul3A_20 : vector<40x128xf32>
    %mul3A_34 = arith.mulf %mul3A_17, %sub3A_32 : vector<40x128xf32>
    %sub3A_35 = arith.subf %mul3A_34, %sub3A_29 : vector<40x128xf32>
    %mul3A_36 = arith.mulf %sub3A_35, %mul3A_20 : vector<40x128xf32>
    %mul3A_37 = arith.mulf %mul3A_17, %sub3A_35 : vector<40x128xf32>
    %sub3A_38 = arith.subf %mul3A_37, %sub3A_32 : vector<40x128xf32>
    %mul3A_39 = arith.mulf %sub3A_38, %mul3A_20 : vector<40x128xf32>
    %mul3A_40 = arith.mulf %mul3A_17, %sub3A_38 : vector<40x128xf32>
    %sub3A_41 = arith.subf %mul3A_40, %sub3A_35 : vector<40x128xf32>
    %mul3A_42 = arith.mulf %sub3A_41, %mul3A_20 : vector<40x128xf32>
    %mul3A_43 = arith.mulf %mul3A_17, %sub3A_41 : vector<40x128xf32>
    %sub3A_44 = arith.subf %mul3A_43, %sub3A_38 : vector<40x128xf32>
    %mul3A_45 = arith.mulf %sub3A_44, %mul3A_20 : vector<40x128xf32>
    %mul3A_46 = arith.mulf %mul3A_17, %sub3A_44 : vector<40x128xf32>
    %sub3A_47 = arith.subf %mul3A_46, %sub3A_41 : vector<40x128xf32>
    %mul3A_48 = arith.mulf %sub3A_47, %mul3A_20 : vector<40x128xf32>
    %mul3A_49 = arith.mulf %mul3A_17, %sub3A_47 : vector<40x128xf32>
    %sub3A_50 = arith.subf %mul3A_49, %sub3A_44 : vector<40x128xf32>
    %mul3A_51 = arith.mulf %sub3A_50, %mul3A_20 : vector<40x128xf32>
    %mul3A_52 = arith.mulf %mul3A_17, %sub3A_50 : vector<40x128xf32>
    %sub3A_53 = arith.subf %mul3A_52, %sub3A_47 : vector<40x128xf32>
    %mul3A_54 = arith.mulf %sub3A_53, %mul3A_20 : vector<40x128xf32>
    %mul3A_55 = arith.mulf %mul3A_17, %sub3A_53 : vector<40x128xf32>
    %sub3A_56 = arith.subf %mul3A_55, %sub3A_50 : vector<40x128xf32>
    %mul3A_57 = arith.mulf %sub3A_56, %mul3A_20 : vector<40x128xf32>
    %mul3A_58 = arith.mulf %mul3A_17, %sub3A_56 : vector<40x128xf32>
    %sub3A_59 = arith.subf %mul3A_58, %sub3A_53 : vector<40x128xf32>
    %mul3A_60 = arith.mulf %sub3A_59, %mul3A_20 : vector<40x128xf32>
    %mul3A_61 = arith.mulf %mul3A_17, %sub3A_59 : vector<40x128xf32>
    %sub3A_62 = arith.subf %mul3A_61, %sub3A_56 : vector<40x128xf32>
    %mul3A_63 = arith.mulf %sub3A_62, %mul3A_20 : vector<40x128xf32>
    %mul3A_64 = arith.mulf %mul3A_17, %sub3A_62 : vector<40x128xf32>
    %sub3A_65 = arith.subf %mul3A_64, %sub3A_59 : vector<40x128xf32>
    %mul3A_66 = arith.mulf %sub3A_65, %mul3A_20 : vector<40x128xf32>
    %mul3A_67 = arith.mulf %mul3A_17, %sub3A_65 : vector<40x128xf32>
    %sub3A_68 = arith.subf %mul3A_67, %sub3A_62 : vector<40x128xf32>
    %mul3A_69 = arith.mulf %sub3A_68, %mul3A_20 : vector<40x128xf32>
    %mul3A_70 = arith.mulf %mul3A_17, %sub3A_68 : vector<40x128xf32>
    %sub3A_71 = arith.subf %mul3A_70, %sub3A_65 : vector<40x128xf32>
    %mul3A_72 = arith.mulf %sub3A_71, %mul3A_20 : vector<40x128xf32>
    %mul3A_73 = arith.mulf %mul3A_17, %sub3A_71 : vector<40x128xf32>
    %sub3A_74 = arith.subf %mul3A_73, %sub3A_68 : vector<40x128xf32>
    %mul3A_75 = arith.mulf %sub3A_74, %mul3A_20 : vector<40x128xf32>
    %mul3A_76 = arith.mulf %mul3A_17, %sub3A_74 : vector<40x128xf32>
    %sub3A_77 = arith.subf %mul3A_76, %sub3A_71 : vector<40x128xf32>
    %mul3A_78 = arith.mulf %sub3A_77, %mul3A_20 : vector<40x128xf32>
    %stack3A = vector.shape_cast %mul3A_21 : vector<40x128xf32> to vector<40x1x128xf32>
    %stack3A_79 = vector.shape_cast %mul3A_24 : vector<40x128xf32> to vector<40x1x128xf32>
    %stack3A_80 = vector.shape_cast %mul3A_27 : vector<40x128xf32> to vector<40x1x128xf32>
    %stack3A_81 = vector.shape_cast %mul3A_30 : vector<40x128xf32> to vector<40x1x128xf32>
    %stack3A_82 = vector.shape_cast %mul3A_33 : vector<40x128xf32> to vector<40x1x128xf32>
    %stack3A_83 = vector.shape_cast %mul3A_36 : vector<40x128xf32> to vector<40x1x128xf32>
    %stack3A_84 = vector.shape_cast %mul3A_39 : vector<40x128xf32> to vector<40x1x128xf32>
    %stack3A_85 = vector.shape_cast %mul3A_42 : vector<40x128xf32> to vector<40x1x128xf32>
    %stack3A_86 = vector.shape_cast %mul3A_45 : vector<40x128xf32> to vector<40x1x128xf32>
    %stack3A_87 = vector.shape_cast %mul3A_48 : vector<40x128xf32> to vector<40x1x128xf32>
    %stack3A_88 = vector.shape_cast %mul3A_51 : vector<40x128xf32> to vector<40x1x128xf32>
    %stack3A_89 = vector.shape_cast %mul3A_54 : vector<40x128xf32> to vector<40x1x128xf32>
    %stack3A_90 = vector.shape_cast %mul3A_57 : vector<40x128xf32> to vector<40x1x128xf32>
    %stack3A_91 = vector.shape_cast %mul3A_60 : vector<40x128xf32> to vector<40x1x128xf32>
    %stack3A_92 = vector.shape_cast %mul3A_63 : vector<40x128xf32> to vector<40x1x128xf32>
    %stack3A_93 = vector.shape_cast %mul3A_66 : vector<40x128xf32> to vector<40x1x128xf32>
    %stack3A_94 = vector.shape_cast %mul3A_69 : vector<40x128xf32> to vector<40x1x128xf32>
    %stack3A_95 = vector.shape_cast %mul3A_72 : vector<40x128xf32> to vector<40x1x128xf32>
    %stack3A_96 = vector.shape_cast %mul3A_75 : vector<40x128xf32> to vector<40x1x128xf32>
    %stack3A_97 = vector.shape_cast %mul3A_78 : vector<40x128xf32> to vector<40x1x128xf32>
    %stack3A_98 = tpu.concatenate %stack3A, %stack3A_79, %stack3A_80, %stack3A_81, %stack3A_82, %stack3A_83, %stack3A_84, %stack3A_85, %stack3A_86, %stack3A_87, %stack3A_88, %stack3A_89, %stack3A_90, %stack3A_91, %stack3A_92, %stack3A_93, %stack3A_94, %stack3A_95, %stack3A_96, %stack3A_97 in 1 : vector<40x1x128xf32>, vector<40x1x128xf32>, vector<40x1x128xf32>, vector<40x1x128xf32>, vector<40x1x128xf32>, vector<40x1x128xf32>, vector<40x1x128xf32>, vector<40x1x128xf32>, vector<40x1x128xf32>, vector<40x1x128xf32>, vector<40x1x128xf32>, vector<40x1x128xf32>, vector<40x1x128xf32>, vector<40x1x128xf32>, vector<40x1x128xf32>, vector<40x1x128xf32>, vector<40x1x128xf32>, vector<40x1x128xf32>, vector<40x1x128xf32>, vector<40x1x128xf32> -> vector<40x20x128xf32>
    %transpose3A = tpu.transpose %stack3A_98, [0, 2, 1] : vector<40x20x128xf32> -> vector<40x128x20xf32>
    %swap3A = arith.constant 0 : index
    %swap3A_99 = arith.constant 0 : index
    %swap3A_100 = arith.constant 0 : index
    %swap3A_101 = vector.load %arg4[%swap3A, %swap3A_99, %swap3A_100] : memref<40x128x20xf32, #tpu.memory_space<vmem>>, vector<40x128x20xf32>
    tpu.vector_store %arg4[%swap3A, %swap3A_99, %swap3A_100], %transpose3A {strides = array<i32>} : memref<40x128x20xf32, #tpu.memory_space<vmem>>, vector<40x128x20xf32>,
    %add3A_102 = arith.constant 1.000000e+00 : f32
    %add3A_103 = vector.broadcast %add3A_102 : f32 to vector<40x128xf32>
    %add3A_104 = arith.addf %cos3A, %add3A_103 : vector<40x128xf32>
    %mul3A_105 = arith.constant 5.000000e-01 : f32
    %mul3A_106 = vector.broadcast %mul3A_105 : f32 to vector<40x128xf32>
    %mul3A_107 = arith.mulf %mul3A_106, %add3A_104 : vector<40x128xf32>
    %lt3A = arith.constant 5.000000e+00 : f32
    %lt3A_108 = vector.broadcast %lt3A : f32 to vector<40x128xf32>
    %lt3A_109 = arith.cmpf olt, %mul3A_11, %lt3A_108 : vector<40x128xf32>
    %convert_element_type3A = arith.extui %lt3A_109 : vector<40x128xi1> to vector<40x128xi32>
    %convert_element_type3A_110 = arith.sitofp %convert_element_type3A : vector<40x128xi32> to vector<40x128xf32>
    %mul3A_111 = arith.mulf %mul3A_107, %convert_element_type3A_110 : vector<40x128xf32>
    %swap3A_112 = arith.constant 0 : index
    %swap3A_113 = arith.constant 0 : index
    %swap3A_114 = vector.load %arg5[%swap3A_112, %swap3A_113] : memref<40x128xf32, #tpu.memory_space<vmem>>, vector<40x128xf32>
    tpu.vector_store %arg5[%swap3A_112, %swap3A_113], %mul3A_111 {strides = array<i32>} : memref<40x128xf32, #tpu.memory_space<vmem>>, vector<40x128xf32>,
    %mul3A_115 = arith.mulf %get3A_1, %rsqrt3A : vector<40x128xf32>
    %mul3A_116 = arith.mulf %get3A_4, %rsqrt3A : vector<40x128xf32>
    %mul3A_117 = arith.mulf %get3A_7, %rsqrt3A : vector<40x128xf32>
    %stack3A_118 = vector.shape_cast %mul3A_115 : vector<40x128xf32> to vector<40x1x128xf32>
    %stack3A_119 = vector.shape_cast %mul3A_116 : vector<40x128xf32> to vector<40x1x128xf32>
    %stack3A_120 = vector.shape_cast %mul3A_117 : vector<40x128xf32> to vector<40x1x128xf32>
    %stack3A_121 = tpu.concatenate %stack3A_118, %stack3A_119, %stack3A_120 in 1 : vector<40x1x128xf32>, vector<40x1x128xf32>, vector<40x1x128xf32> -> vector<40x3x128xf32>
    %transpose3A_122 = tpu.transpose %stack3A_121, [0, 2, 1] : vector<40x3x128xf32> -> vector<40x128x3xf32>
    %swap3A_123 = arith.constant 0 : index
    %swap3A_124 = arith.constant 0 : index
    %swap3A_125 = arith.constant 0 : index
    %swap3A_126 = vector.load %arg6[%swap3A_123, %swap3A_124, %swap3A_125] : memref<40x128x3xf32, #tpu.memory_space<vmem>>, vector<40x128x3xf32>
    tpu.vector_store %arg6[%swap3A_123, %swap3A_124, %swap3A_125], %transpose3A_122 {strides = array<i32>} : memref<40x128x3xf32, #tpu.memory_space<vmem>>, vector<40x128x3xf32>,
    return
  }
  func.func @transform_0(%arg0: i32) -> (i32, i32) {
    %c0_i32 = arith.constant 0 : i32
    %c0_i32_0 = arith.constant 0 : i32
    return %arg0, %c0_i32 : i32, i32
  }
  func.func @transform_1(%arg0: i32) -> (i32, i32) {
    %c0_i32 = arith.constant 0 : i32
    %c0_i32_0 = arith.constant 0 : i32
    return %arg0, %c0_i32 : i32, i32
  }
  func.func @transform_2(%arg0: i32) -> (i32, i32) {
    %c0_i32 = arith.constant 0 : i32
    %c0_i32_0 = arith.constant 0 : i32
    return %arg0, %c0_i32 : i32, i32
  }
  func.func @transform_3(%arg0: i32) -> (i32, i32, i32) {
    %c0_i32 = arith.constant 0 : i32
    %c0_i32_0 = arith.constant 0 : i32
    %c0_i32_1 = arith.constant 0 : i32
    return %arg0, %c0_i32, %c0_i32_0 : i32, i32, i32
  }
  func.func @transform_4(%arg0: i32) -> (i32, i32) {
    %c0_i32 = arith.constant 0 : i32
    %c0_i32_0 = arith.constant 0 : i32
    return %arg0, %c0_i32 : i32, i32
  }
  func.func @transform_5(%arg0: i32) -> (i32, i32, i32) {
    %c0_i32 = arith.constant 0 : i32
    %c0_i32_0 = arith.constant 0 : i32
    %c0_i32_1 = arith.constant 0 : i32
    return %arg0, %c0_i32, %c0_i32_0 : i32, i32, i32
  }
}

module attributes {stable_mosaic.version = 14 : i64} {
  func.func @_embed_body(%arg0: i32, %arg1: memref<2000x1xi32, #tpu.memory_space<vmem>>, %arg2: memref<128x128xf32, #tpu.memory_space<vmem>>, %arg3: memref<2000x128xf32, #tpu.memory_space<vmem>>) attributes {dimension_semantics = [#tpu.dimension_semantics<arbitrary>], iteration_bounds = array<i64: 50>, scalar_prefetch = 0 : i64, scratch_operands = 0 : i64, tpu.core_type = #tpu.core_type<tc>, window_params = [{transform_indices = @transform_0, window_bounds = array<i64: 2000, 1>}, {pipeline_mode = #tpu.pipeline_mode<synchronous>, transform_indices = @transform_1, window_bounds = array<i64: 128, 128>}, {transform_indices = @transform_2, window_bounds = array<i64: 2000, 128>}]} {
    %get3A = arith.constant 0 : index
    %get3A_0 = arith.constant 0 : index
    %get3A_1 = vector.load %arg1[%get3A, %get3A_0] : memref<2000x1xi32, #tpu.memory_space<vmem>>, vector<2000x1xi32>
    %iota3A = tpu.iota {dimensions = array<i32: 1>} : vector<2000x128xi32>
    %eq3A = vector.broadcast %get3A_1 : vector<2000x1xi32> to vector<2000x128xi32>
    %eq3A_2 = arith.cmpi eq, %eq3A, %iota3A : vector<2000x128xi32>
    %convert_element_type3A = arith.extui %eq3A_2 : vector<2000x128xi1> to vector<2000x128xi32>
    %convert_element_type3A_3 = arith.sitofp %convert_element_type3A : vector<2000x128xi32> to vector<2000x128xf32>
    %get3A_4 = arith.constant 0 : index
    %get3A_5 = arith.constant 0 : index
    %get3A_6 = vector.load %arg2[%get3A_4, %get3A_5] : memref<128x128xf32, #tpu.memory_space<vmem>>, vector<128x128xf32>
    %dot_general3A = arith.constant dense<0.000000e+00> : vector<2000x128xf32>
    %dot_general3A_7 = tpu.matmul %convert_element_type3A_3, %get3A_6, %dot_general3A {dimension_numbers = #tpu.dot_dimension_numbers<[1], [0], [0], [1], [0, 0, 1, 1], [], []>, transpose_lhs_hint = false} : vector<2000x128xf32>, vector<128x128xf32>, vector<2000x128xf32> -> vector<2000x128xf32>
    %swap3A = arith.constant 0 : index
    %swap3A_8 = arith.constant 0 : index
    %swap3A_9 = vector.load %arg3[%swap3A, %swap3A_8] : memref<2000x128xf32, #tpu.memory_space<vmem>>, vector<2000x128xf32>
    tpu.vector_store %arg3[%swap3A, %swap3A_8], %dot_general3A_7 {strides = array<i32>} : memref<2000x128xf32, #tpu.memory_space<vmem>>, vector<2000x128xf32>,
    return
  }
  func.func @transform_0(%arg0: i32) -> (i32, i32) {
    %c0_i32 = arith.constant 0 : i32
    %c0_i32_0 = arith.constant 0 : i32
    return %arg0, %c0_i32 : i32, i32
  }
  func.func @transform_1(%arg0: i32) -> (i32, i32) {
    %c0_i32 = arith.constant 0 : i32
    %c0_i32_0 = arith.constant 0 : i32
    %c0_i32_1 = arith.constant 0 : i32
    return %c0_i32, %c0_i32_0 : i32, i32
  }
  func.func @transform_2(%arg0: i32) -> (i32, i32) {
    %c0_i32 = arith.constant 0 : i32
    %c0_i32_0 = arith.constant 0 : i32
    return %arg0, %c0_i32 : i32, i32
  }
}

</mosaic_0001>

<sc_bundles>
// kernel: sparse-core-data-format-call.1.cloned.1.call-start
scs
called_computation.1_lowered:
.L_overlay_start_0:
0x0: {  	s2 =	sld [smem:$0x3FD9]  }
0x1: {  	s3 =	sld [smem:$0x3FFE];
	_ =	sdelay $0x1  }
0x2: {  	s1 =	srdreg.scid  }
0x3: {  	s0 =	sand.u32 $0x1, s1  }
0x4: {  	s16 =	sshll.u32 s0, $0xA;
	s2 =	sadd.s32 s3, s2  }
0x5: {  	s2 =	sadd.s32 s2, s16  }
0x6: {  	[smem:$0x3FC4] =	sst s2  }
0x7: {  	_ = 	snop  }
0x8: {  	s2 =	sld [smem:$0x3FD0];
	_ =	sdelay $0x2  }
0x9: {  	s17 =	simm.s32 $0xB;
	s4 =	simm.s32 $0x10  }
0xa: {  	[smem:s4], [sflag:s17] =	dma.local [hbm:s2], $0x1  }
0xb: {  	_ =	swait.eq [sflag:s17], $0x1  }
0xc: {  	[sflag:s17] =	ssyncset.done $0x0  }
0xd: {  	[sflag:s17] =	ssyncadd.s32 $0xFFFFFFFF  }
0xe: {  	s18 =	sld [smem:$0x11];
	(tm) =	ssettm $0x1  }
0xf: {  	s19 =	sld [smem:$0x3FFB];
	_ =	sdelay $0x3  }
0x10: {  	_ =	strace s19  }
0x11: {  	s2 =	sld [smem:$0x3FFC];
	_ =	sdelay $0x3  }
0x12: {  	_ =	strace s2  }
0x13: {  	s2 =	sld [smem:$0x3FFD];
	_ =	sdelay $0x3  }
0x14: {  	_ =	strace s2  }
0x15: {  	_ =	strace $0x8FFFFFFF  }
0x16: {  	s20 =	sld [smem:$0x3FDB];
	_ =	sdelay $0x1  }
0x17: {  	s21 =	simm.s32 $_scs_section_size  }
0x18: {  	s5 =	simm.s32 $_size__tile_overlayer_lowered;
	s6 =	simm.s32 $_tile_overlayer_lowered  }
0x19: {  	s7 =	simm.s32 $0x1BFF;
	s22 =	sshll.u32 s6, $0x1;
	s4 =	sadd.s32 s21, s20  }
0x1a: {  	s23 =	simm.s32 $0x0;
	s5 =	sshll.u32 s5, $0x1;
	s6 =	sadd.s32 s22, s4  }
0x1b: {  	[timem:s23], [sflag:s7] =	dma.local [hbm:s6], s5  }
0x1c: {  	_ =	swait.ge [sflag:s7], s5  }
0x1d: {  	s5 =	ssub.s32 $0x0, s5;
	[sflag:s7] =	ssyncset.done $0x0  }
0x1e: {  	[sflag:s7] =	ssyncadd.s32 s5;
	_ =	sdelay $0x1  }
0x1f: {  	s24 =	simm.s32 $0x1B8B  }
0x20: {  	_ =	swait.ge [sflag:s24], $0x1  }
0x21: {  	[sflag:s24] =	ssyncset.done $0x0  }
0x22: {  	[sflag:s24] =	ssyncadd.s32 $0xFFFFFFFF  }
0x23: {  	s5 =	sld [smem:$0x0]  }
0x24: {  	s6 =	sand.u32 $0xFFFFFFFE, s1  }
0x25: {  	p0 =	sne.s32 s1, s6  }
0x26: {  	s6 =	sshll.u32 @p0 s6, $0xE  }
0x27: {  	s6 =	sadd.s32 @p0 $0x11B8D, s6;
	s7 =	sshll.u32 @p0 s5, $0x11  }
0x28: {  	s6 =	sor.u32 @p0 s7, s6  }
0x29: {  	[sflag:s6] =	ssyncadd.remote.s32 @p0 $0x1;
	_ =	sdelay $0x1  }
0x2a: {  	s6 =	simm.s32 @p0 $0x1B8D  }
0x2b: {  	_ =	swait.eq @p0 [sflag:s6], $0x1  }
0x2c: {  	[sflag:s6] =	ssyncadd.s32 @p0 $0xFFFFFFFF  }
0x2d: {  	s7 =	sshll.u32 @!p0 s1, $0xE  }
0x2e: {  	s7 =	sor.u32 @!p0 $0x4000, s7;
	s6 =	simm.s32 @!p0 $0x1B8D  }
0x2f: {  	s5 =	sshll.u32 @!p0 s5, $0x11;
	s7 =	sadd.s32 @!p0 $0x11B8D, s7;
	_ =	swait.eq @!p0 [sflag:s6], $0x1  }
0x30: {  	s5 =	sor.u32 @!p0 s5, s7;
	[sflag:s6] =	ssyncadd.s32 @!p0 $0xFFFFFFFF  }
0x31: {  	s26 =	simm.s32 $0x1B8E;
	s25 =	sld [smem:$0x3FFE];
	[sflag:s5] =	ssyncadd.remote.s32 @!p0 $0x1  }
0x32: {  	s27 =	simm.s32 $execute0_lowered;
	[smem:$0x3FD2] =	sst s26  }
0x33: {  	s6 =	sshll.u32 s27, $0x1;
	_ =	strace $0x80000049;
	[dreg:$0x1] =	wrdreg $0xFFFFFFFF  }
0x34: {  	s28 =	simm.s32 $_size_execute0_lowered;
	s4 =	sadd.s32 s4, s6;
	[dreg:$0x0] =	wrdreg $0x0  }
0x35: {  	s6 =	sshll.u32 s28, $0x1;
	[dreg:$0x2] =	wrdreg s4  }
0x36: {  	[dreg:$0x3] =	wrdreg s6  }
0x37: {  	[dreg:$0x4] =	wrdreg $0xC0  }
0x38: {  	_ =	task [dreg:s23], $0x5FFFF  }
0x39: {  	[dreg:$0x1] =	wrdreg $0xFFFFFFFF  }
0x3a: {  	[dreg:$0x0] =	wrdreg $0x60  }
0x3b: {  	[dreg:$0x2] =	wrdreg s25  }
0x3c: {  	[dreg:$0x3] =	wrdreg s18  }
0x3d: {  	[dreg:$0x4] =	wrdreg $0xA  }
0x3e: {  	_ =	task.clear_ibuf [dreg:s23], $0x5FFFF;
	_ =	strace $0x90000049  }
0x3f: {  	s29 =	simm.s32 $0xA;
	_ =	strace $0x8000004B  }
0x40: {  	_ =	swait.ge [sflag:s29], $0x1  }
0x41: {  	[sflag:s29] =	ssyncadd.s32 $0xFFFFFFFF  }
0x42: {  	_ =	strace $0x9000004B  }
0x43: {  	_ =	sfence  }
0x44: {  	s30 =	sld [smem:$0x0];
	_ =	sdelay $0x2  }
0x45: {  	s31 =	sshll.u32 s1, $0xD;
	s1 =	sshrl.u32 s1, $0x2  }
0x46: {  	s4 =	sand.u32 $0x4000, s31;
	s1 =	sadd.s32 s1, s30  }
0x47: {  	s0 =	sor.u32 s4, s0;
	s1 =	sshll.u32 s1, $0x11  }
0x48: {  	s0 =	sor.u32 s1, s0  }
0x49: {  	s0 =	sadd.s32 $0x8F2B, s0  }
0x4a: {  	[sflag:s0] =	ssyncadd.remote.s32 $0x1  }
0x4b: {  	_ =	sfence.sel $0xFFFF  }
0x4c: {  	[dreg:$0x0] =	wrdreg $0xFFFFFFFF;
	(pc) =	sbr.abs _section_cstart, $3  }
0x4d: {  	[dreg:$0x1] =	wrdreg $0xFFFFFFFF  }
0x4e: {  	_ =	task.clear_ibuf [dreg:s23], $0x2FFFF;
	_ =	strace $0x9FFFFFFF  }
0x4f: {  	(tm) =	ssettm $0x7FFFFFFF  }
tec
execute0_lowered:
.L_overlay_start_1:
0x0: {  	(tag) =	ssettag $0x1  }
0x1: {  	s0 =	srdreg.scid  }
0x2: {  	s1 =	sshll.u32 s0, $0x4  }
0x3: {  	s0 =	stileid.u32;
	s1 =	sand.u32 $0x10, s1  }
0x4: {  	s1 =	sor.u32 s0, s1  }
0x5: {  	s6 =	rddreg [dreg:$0x0];
	s2 =	sshll.u32 s1, $0x7  }
0x6: {  	s3 =	rddreg [dreg:$0x1];
	s5 =	simm.s32 $0x1;
	s4 =	ssub.s32 $0x30D400, s2  }
0x7: {  	s31 =	simm.s32 $0x2;
	s12 =	simm.s32 $0x0;
	s30 =	sand.u32 $0xF80, s4  }
0x8: {  	s11 =	simm.s32 $0x0;
	s8 =	simm.s32 $0x0;
	p0 =	sne.s32 s30, $0x0  }
.Ltmp0:
0x9: {  	s7 =	sshrl.u32 s4, $0xC;
	s5 =	simm.s32 @!p0 $0x0;
	(pc) =	sbr.rel .LBB1_1-.Ltmp0, $4  }
0xa: {  	s10 =	simm.s32 $0x0;
	s1 =	rddreg [dreg:$0x2];
	s5 =	sadd.s32 s5, s7  }
0xb: {  	_ =	strace $0x8000004A;
	s4 =	simm.s32 $0x1;
	s5 =	smul.u32 $0x3, s5  }
0xc: {  	s6 =	sadd.s32 $0x30D5800, s6;
	s9 =	smov.u32 s2;
	[sflag:s4] =	ssyncpa.u1 $0x0  }
0xd: {  	[sflag:s31] =	ssyncpa.u1 $0x0;
	p0 =	por $0x0, $0x0;
	s7 =	sadd.s32 $0x1, s5  }
.LBB1_4:
0xe: {  	[tilespmem:s22+$0xFFFFFFFA ss:$0x81] =	vst.msk $0xff, v4  }
0xf: {  	v4 =	vld.msk [tilespmem:s24+$0xFFFFFFF0], $0xff;
	_ =	sdelay $0x3  }
0x10: {  	[tilespmem:s19+$0xFFFFFFFB ss:$0x81] =	vst.msk $0xff, v3  }
0x11: {  	v3 =	vld.msk [tilespmem:s21+$0xFFFFFFF8], $0xff;
	[tilespmem:s22+$0xFFFFFFFB ss:$0x81] =	vst.msk $0xff, v4  }
0x12: {  	v4 =	vld.msk [tilespmem:s24+$0xFFFFFFF8], $0xff;
	_ =	sdelay $0x3  }
0x13: {  	v5 =	vld.msk [tilespmem:s20+$0x0], $0xff;
	[tilespmem:s19+$0xFFFFFFFC ss:$0x81] =	vst.msk $0xff, v3  }
0x14: {  	v3 =	vld.msk [tilespmem:s21+$0x0], $0xff;
	[tilespmem:s22+$0xFFFFFFFC ss:$0x81] =	vst.msk $0xff, v4  }
0x15: {  	v4 =	vld.msk [tilespmem:s24+$0x0], $0xff;
	_ =	sdelay $0x2  }
0x16: {  	[tilespmem:s17+$0xFFFFFFFD ss:$0x81] =	vst.msk $0xff, v5  }
0x17: {  	v5 =	vld.msk [tilespmem:s20+$0x8], $0xff;
	[tilespmem:s19+$0xFFFFFFFD ss:$0x81] =	vst.msk $0xff, v3  }
0x18: {  	v3 =	vld.msk [tilespmem:s21+$0x8], $0xff;
	[tilespmem:s22+$0xFFFFFFFD ss:$0x81] =	vst.msk $0xff, v4  }
0x19: {  	s25 =	sshrl.u32 s12, $0x3;
	v4 =	vld.msk [tilespmem:s24+$0x8], $0xff  }
0x1a: {  	s26 =	sshll.u32 s11, $0x3;
	s25 =	smul.u32 $0x186A000, s25  }
0x1b: {  	[tilespmem:s15+$0xFFFFFFFE ss:$0x81] =	vst.msk $0xff, v2;
	s26 =	sand.u32 $0xFFFFFC00, s26  }
0x1c: {  	v2 =	vld.msk [tilespmem:s18+$0x10], $0xff;
	s25 =	sadd.s32 s26, s25;
	[tilespmem:s17+$0xFFFFFFFE ss:$0x81] =	vst.msk $0xff, v5  }
0x1d: {  	s26 =	sshrl.u32 s25, $0xA;
	v5 =	vld.msk [tilespmem:s20+$0x10], $0xff;
	[tilespmem:s19+$0xFFFFFFFE ss:$0x81] =	vst.msk $0xff, v3  }
0x1e: {  	s26 =	smulhi.u32 $0x53E2D7, s26;
	v3 =	vld.msk [tilespmem:s21+$0x10], $0xff;
	[tilespmem:s22+$0xFFFFFFFE ss:$0x81] =	vst.msk $0xff, v4  }
0x1f: {  	v4 =	vld.msk [tilespmem:s24+$0x10], $0xff  }
0x20: {  	[tilespmem:s14+$0xFFFFFFFF ss:$0x81] =	vst.msk $0xff, v1;
	s26 =	sshrl.u32 s26, $0x2  }
0x21: {  	v1 =	vld.msk [tilespmem:s16+$0x18], $0xff;
	[tilespmem:s15+$0xFFFFFFFF ss:$0x81] =	vst.msk $0xff, v2;
	s31 =	smul.u32 $0xAAB, s26  }
0x22: {  	v2 =	vld.msk [tilespmem:s18+$0x18], $0xff;
	[tilespmem:s17+$0xFFFFFFFF ss:$0x81] =	vst.msk $0xff, v5  }
0x23: {  	s16 =	sshrl.u32 s31, $0x10;
	v5 =	vld.msk [tilespmem:s20+$0x18], $0xff;
	s20 =	sshll.u32 s12, $0x7;
	[tilespmem:s19+$0xFFFFFFFF ss:$0x81] =	vst.msk $0xff, v3  }
0x24: {  	s27 =	sand.u32 $0x7F, s11;
	s16 =	smul.u32 $0x18, s16;
	s12 =	sand.u32 $0x380, s20;
	v3 =	vld.msk [tilespmem:s21+$0x18], $0xff;
	[tilespmem:s22+$0xFFFFFFFF ss:$0x81] =	vst.msk $0xff, v4  }
0x25: {  	[tilespmem:s13+$0x0 ss:$0x81] =	vst.msk $0xff, v0;
	s28 =	smul.u32 $0x30D400, s26;
	s11 =	sor.u32 s27, s12;
	v63 =	vld.msk [tilespmem:s24+$0x18], $0xff  }
0x26: {  	[tilespmem:s14+$0x0 ss:$0x81] =	vst.msk $0xff, v1;
	s29 =	ssub.s32 s26, s16;
	s11 =	sor.u32 s25, s11  }
0x27: {  	[tilespmem:s15+$0x0 ss:$0x81] =	vst.msk $0xff, v2;
	s30 =	sand.u32 $0xFFFF, s29;
	s11 =	ssub.s32 s11, s28  }
0x28: {  	s12 =	smul.u32 $0x61A80, s30;
	[tilespmem:s17+$0x0 ss:$0x81] =	vst.msk $0xff, v5;
	s31 =	sshrl.u32 s11, $0x3  }
0x29: {  	s13 =	sadd.s32 s3, s31;
	[tilespmem:s19+$0x0 ss:$0x81] =	vst.msk $0xff, v3  }
0x2a: {  	s11 =	sand.u32 $0x7, s11;
	s12 =	sadd.s32 s12, s13;
	[tilespmem:s22+$0x0 ss:$0x81] =	vst.msk $0xff, v63  }
0x2b: {  	[hbm4b:s12+s11] =	stream.linear.scatter [tilespmem:s23], [sflag:$0x2], $0x400, $0x20;
	[tilespmem:$0x1010] =	vst v63  }
.LBB1_5:
0x2c: {  	s13 =	sadd.s32 $0x8, s8  }
0x2d: {  	s11 =	sadd.s32 $0x1000, s9;
	s15 =	smov.u32 s9;
	p2 =	sgt.s32 s13, $0x13  }
0x2e: {  	s15 =	smov.u32 @p2 s11  }
0x2f: {  	s13 =	simm.s32 @p2 $0x0;
	p2 =	sgt.s32 s15, $0x30D3FF  }
0x30: {  	s15 =	smov.u32 @p2 s2;
	p2 =	sne.s32 s10, s7  }
.Ltmp1:
0x31: {  	p1 =	slt.u32 s10, $0x2;
	(pc) =	sbr.rel @!p2 .LBB1_6-.Ltmp1, $4  }
0x32: {  	s14 =	simm.s32 @!p1 $0x2  }
0x33: {  	s12 =	smov.u32 s8;
	p0 =	por !p0, !p0;
	_ =	swait.ge @!p1 [sflag:s14], $0x400  }
0x34: {  	s11 =	smov.u32 s9;
	[sflag:s14] =	ssyncset.done @!p1 $0x0;
	s8 =	smov.u32 s13  }
0x35: {  	s10 =	sadd.s32 $0x1, s10;
	[sflag:s14] =	ssyncadd.s32 @!p1 $0xFFFFFC00;
	s9 =	smov.u32 s15  }
.LBB1_1:
0x36: {  	p1 =	sge.u32 s10, s5  }
0x37: {  	s13 =	sshll.u32 @!p1 s9, $0x7;
	s14 =	sshll.u32 @!p1 s8, $0x3  }
0x38: {  	s15 =	sand.u32 @!p1 $0xFFFFFC00, s13;
	s14 =	sand.u32 @!p1 $0xFFFFFC00, s14  }
0x39: {  	s13 =	sand.u32 @!p1 $0x380, s13;
	s14 =	sadd.s32 @!p1 s15, s14  }
0x3a: {  	s13 =	sor.u32 @!p1 s13, s14  }
0x3b: {  	s13 =	sshrl.u32 @!p1 s13, $0x7  }
0x3c: {  	s14 =	smulhi.u32 @!p1 $0x14F8B59, s13;
	_ =	sdelay $0x1  }
0x3d: {  	s15 =	sxor.u32 @!p1 $0xFFFFFFFF, s10;
	s14 =	sshrl.u32 @!p1 s14, $0xE  }
0x3e: {  	s15 =	sshll.u32 @!p1 s15, $0xA;
	s14 =	smul.u32 @!p1 $0x30D400, s14  }
0x3f: {  	s31 =	sadd.s32 $0xFFFFFFFF, s10;
	s16 =	sshrl.u32 @!p1 s8, $0x3;
	s15 =	sand.u32 @!p1 $0x400, s15  }
0x40: {  	s13 =	ssub.s32 @!p1 s13, s14;
	s14 =	sand.u32 @!p1 $0xF, s16;
	s16 =	sand.u32 @!p1 $0x7, s8  }
0x41: {  	s13 =	sshll.u32 @!p1 s13, $0x4;
	s14 =	sadd.s32 @!p1 s6, s14;
	s16 =	sshll.u32 @!p1 s16, $0x12  }
0x42: {  	s13 =	sadd.s32 @!p1 s13, s14;
	s14 =	sor.u32 @!p1 $0x8, s16;
	s16 =	simm.s32 @!p1 $0x80  }
0x43: {  	[tilespmem:s15], [sflag:$0x1] =	stream.strided.gather @!p1 [hbm4b:s13+s14], $0x400, s16, s14, $0x38;
	[tilespmem:$0x1010] =	vst v63  }
0x44: {  	p1 =	sge.u32 s31, s5  }
.Ltmp2:
0x45: {  	_ = 	snop;
	(pc) =	sbr.rel @p1 .LBB1_5-.Ltmp2, $1  }
0x46: {  	_ =	sdelay $0x3  }
0x47: {  	s13 =	simm.s32 $0x1  }
0x48: {  	_ =	swait.ge [sflag:s4], $0x400;
	s13 =	simm.s32 @!p0 $0x0  }
0x49: {  	[sflag:s4] =	ssyncset.done $0x0;
	s14 =	sshll.u32 s13, $0xA  }
0x4a: {  	[sflag:s4] =	ssyncadd.s32 $0xFFFFFC00;
	s22 =	sor.u32 $0x20, s14  }
0x4b: {  	v0 =	vld.msk [tilespmem:s22+$0xFFFFFFE0], $0xff  }
0x4c: {  	s13 =	smul.u32 $0x1020, s13;
	_ =	sdelay $0x1  }
0x4d: {  	s13 =	sshrl.u32 s13, $0x2  }
0x4e: {  	s13 =	sor.u32 $0x807, s13  }
0x4f: {  	[tilespmem:s13+$0xFFFFFFF9 ss:$0x81] =	vst.msk $0xff, v0  }
0x50: {  	v0 =	vld.msk [tilespmem:s22+$0xFFFFFFE8], $0xff  }
0x51: {  	s16 =	sadd.s32 $0x40, s22  }
0x52: {  	v1 =	vld.msk [tilespmem:s16+$0xFFFFFFE0], $0xff;
	_ =	sdelay $0x2  }
0x53: {  	[tilespmem:s13+$0xFFFFFFFA ss:$0x81] =	vst.msk $0xff, v0  }
0x54: {  	s14 =	sadd.s32 $0x8, s13;
	v0 =	vld.msk [tilespmem:s22+$0xFFFFFFF0], $0xff  }
0x55: {  	[tilespmem:s14+$0xFFFFFFF9 ss:$0x81] =	vst.msk $0xff, v1  }
0x56: {  	v1 =	vld.msk [tilespmem:s16+$0xFFFFFFE8], $0xff  }
0x57: {  	s18 =	sadd.s32 $0x40, s16  }
0x58: {  	v2 =	vld.msk [tilespmem:s18+$0xFFFFFFE0], $0xff  }
0x59: {  	[tilespmem:s13+$0xFFFFFFFB ss:$0x81] =	vst.msk $0xff, v0  }
0x5a: {  	v0 =	vld.msk [tilespmem:s22+$0xFFFFFFF8], $0xff  }
0x5b: {  	[tilespmem:s14+$0xFFFFFFFA ss:$0x81] =	vst.msk $0xff, v1  }
0x5c: {  	s15 =	sadd.s32 $0x8, s14;
	v1 =	vld.msk [tilespmem:s16+$0xFFFFFFF0], $0xff  }
0x5d: {  	[tilespmem:s15+$0xFFFFFFF9 ss:$0x81] =	vst.msk $0xff, v2  }
0x5e: {  	s20 =	sadd.s32 $0x40, s18;
	v2 =	vld.msk [tilespmem:s18+$0xFFFFFFE8], $0xff  }
0x5f: {  	[tilespmem:s13+$0xFFFFFFFC ss:$0x81] =	vst.msk $0xff, v0;
	v0 =	vld.msk [tilespmem:s20+$0xFFFFFFE0], $0xff  }
0x60: {  	v3 =	vld.msk [tilespmem:s22+$0x0], $0xff  }
0x61: {  	[tilespmem:s14+$0xFFFFFFFB ss:$0x81] =	vst.msk $0xff, v1  }
0x62: {  	v1 =	vld.msk [tilespmem:s16+$0xFFFFFFF8], $0xff  }
0x63: {  	s17 =	sadd.s32 $0x8, s15;
	[tilespmem:s15+$0xFFFFFFFA ss:$0x81] =	vst.msk $0xff, v2  }
0x64: {  	v2 =	vld.msk [tilespmem:s18+$0xFFFFFFF0], $0xff;
	[tilespmem:s17+$0xFFFFFFF9 ss:$0x81] =	vst.msk $0xff, v0  }
0x65: {  	v0 =	vld.msk [tilespmem:s20+$0xFFFFFFE8], $0xff;
	[tilespmem:s13+$0xFFFFFFFD ss:$0x81] =	vst.msk $0xff, v3  }
0x66: {  	s21 =	sadd.s32 $0x40, s20;
	v3 =	vld.msk [tilespmem:s22+$0x8], $0xff  }
0x67: {  	[tilespmem:s14+$0xFFFFFFFC ss:$0x81] =	vst.msk $0xff, v1;
	v1 =	vld.msk [tilespmem:s21+$0xFFFFFFE0], $0xff  }
0x68: {  	v4 =	vld.msk [tilespmem:s16+$0x0], $0xff  }
0x69: {  	[tilespmem:s15+$0xFFFFFFFB ss:$0x81] =	vst.msk $0xff, v2  }
0x6a: {  	v2 =	vld.msk [tilespmem:s18+$0xFFFFFFF8], $0xff;
	[tilespmem:s17+$0xFFFFFFFA ss:$0x81] =	vst.msk $0xff, v0  }
0x6b: {  	s19 =	sadd.s32 $0x8, s17;
	v0 =	vld.msk [tilespmem:s20+$0xFFFFFFF0], $0xff;
	[tilespmem:s13+$0xFFFFFFFE ss:$0x81] =	vst.msk $0xff, v3  }
0x6c: {  	[tilespmem:s19+$0xFFFFFFF9 ss:$0x81] =	vst.msk $0xff, v1;
	v1 =	vld.msk [tilespmem:s22+$0x10], $0xff  }
0x6d: {  	[tilespmem:s14+$0xFFFFFFFD ss:$0x81] =	vst.msk $0xff, v4;
	v3 =	vld.msk [tilespmem:s21+$0xFFFFFFE8], $0xff  }
0x6e: {  	s24 =	sadd.s32 $0x40, s21;
	v4 =	vld.msk [tilespmem:s16+$0x8], $0xff  }
0x6f: {  	[tilespmem:s15+$0xFFFFFFFC ss:$0x81] =	vst.msk $0xff, v2;
	v2 =	vld.msk [tilespmem:s24+$0xFFFFFFE0], $0xff  }
0x70: {  	v5 =	vld.msk [tilespmem:s18+$0x0], $0xff;
	[tilespmem:s17+$0xFFFFFFFB ss:$0x81] =	vst.msk $0xff, v0  }
0x71: {  	v6 =	vld.msk [tilespmem:s20+$0xFFFFFFF8], $0xff;
	[tilespmem:s13+$0xFFFFFFFF ss:$0x81] =	vst.msk $0xff, v1  }
0x72: {  	s23 =	sand.u32 $0x1, s10;
	[tilespmem:s19+$0xFFFFFFFA ss:$0x81] =	vst.msk $0xff, v3;
	v0 =	vld.msk [tilespmem:s22+$0x18], $0xff  }
0x73: {  	s23 =	smul.u32 $0x1020, s23;
	[tilespmem:s14+$0xFFFFFFFE ss:$0x81] =	vst.msk $0xff, v4;
	v3 =	vld.msk [tilespmem:s21+$0xFFFFFFF0], $0xff;
	s22 =	sadd.s32 $0x8, s19  }
0x74: {  	v1 =	vld.msk [tilespmem:s16+$0x10], $0xff;
	[tilespmem:s22+$0xFFFFFFF9 ss:$0x81] =	vst.msk $0xff, v2  }
0x75: {  	s23 =	sshrl.u32 s23, $0x2;
	[tilespmem:s15+$0xFFFFFFFD ss:$0x81] =	vst.msk $0xff, v5;
	v4 =	vld.msk [tilespmem:s24+$0xFFFFFFE8], $0xff  }
0x76: {  	s25 =	simm.s32 $0x28;
	s23 =	sor.u32 $0x800, s23;
	s26 =	sadd.s32 $0x40, s24;
	v2 =	vld.msk [tilespmem:s18+$0x8], $0xff;
	[tilespmem:s17+$0xFFFFFFFC ss:$0x81] =	vst.msk $0xff, v6  }
.LBB1_3:
0x77: {  	v5 =	vld.msk [tilespmem:s26+$0xFFFFFFE0], $0xff;
	[tilespmem:s13+$0x0 ss:$0x81] =	vst.msk $0xff, v0;
	s13 =	smov.u32 s14;
	s14 =	smov.u32 s15;
	s15 =	smov.u32 s17  }
0x78: {  	s25 =	sadd.s32 $0x8, s25;
	s17 =	smov.u32 s19;
	[tilespmem:s19+$0xFFFFFFFB ss:$0x81] =	vst.msk $0xff, v3;
	v6 =	vld.msk [tilespmem:s20+$0x0], $0xff;
	s19 =	smov.u32 s22  }
0x79: {  	p1 =	slt.u32 s25, $0x78;
	v7 =	vld.msk [tilespmem:s21+$0xFFFFFFF8], $0xff;
	[tilespmem:s13+$0xFFFFFFFF ss:$0x81] =	vst.msk $0xff, v1  }
.Ltmp3:
0x7a: {  	[tilespmem:s22+$0xFFFFFFFA ss:$0x81] =	vst.msk $0xff, v4;
	v0 =	vld.msk [tilespmem:s16+$0x18], $0xff;
	s16 =	smov.u32 s18;
	s18 =	smov.u32 s20;
	(pc) =	sbr.rel @p1 .LBB1_3-.Ltmp3, $4  }
0x7b: {  	s22 =	sadd.s32 $0x8, s22;
	s20 =	smov.u32 s21;
	s21 =	smov.u32 s24;
	v3 =	vld.msk [tilespmem:s24+$0xFFFFFFF0], $0xff;
	[tilespmem:s14+$0xFFFFFFFE ss:$0x81] =	vst.msk $0xff, v2  }
0x7c: {  	s24 =	smov.u32 s26;
	[tilespmem:s22+$0xFFFFFFF9 ss:$0x81] =	vst.msk $0xff, v5;
	v1 =	vld.msk [tilespmem:s16+$0x10], $0xff  }
0x7d: {  	v4 =	vld.msk [tilespmem:s26+$0xFFFFFFE8], $0xff;
	[tilespmem:s15+$0xFFFFFFFD ss:$0x81] =	vst.msk $0xff, v6  }
0x7e: {  	s26 =	sadd.s32 $0x40, s26;
	[tilespmem:s17+$0xFFFFFFFC ss:$0x81] =	vst.msk $0xff, v7;
	v2 =	vld.msk [tilespmem:s18+$0x8], $0xff  }
.Ltmp4:
0x7f: {  	_ = 	snop;
	(pc) =	sbr.rel .LBB1_4-.Ltmp4, $1  }
0x80: {  	_ =	sdelay $0x3  }
.LBB1_6:
0x81: {  	_ =	sfence.sel $0x180000  }
0x82: {  	s2 =	simm.s32 $0x1;
	[bflag:$0x0] =	sbarrier.arrive $0xFFFF  }
0x83: {  	s31 =	simm.s32 $0x2;
	[sflag:s2] =	ssyncpa.u1 $0x1  }
0x84: {  	[sflag:s31] =	ssyncpa.u1 $0x1  }
0x85: {  	p0 =	sne.s32 s0, $0x0;
	_ =	strace $0x9000004A  }
0x86: {  	s0 =	sadd.s32 @!p0 $0x100000, s1;
	[bflag:$0x2] =	sbarrier.arrive $0xFFFF  }
0x87: {  	[sflag:s0] =	ssyncadd.tile.s32 @!p0 $0x1;
	_ =	shalt  }
.Lfunc_end1:
_tile_overlayer_lowered:
.L_overlay_start_2:
0x88: {  	(tag) =	ssettag $0x2  }
0x89: {  	s0 =	rddreg [dreg:$0x0];
	s2 =	stileid.u32  }
0x8a: {  	s1 =	rddreg [dreg:$0x1];
	p0 =	sne.s32 s2, $0x0  }
0x8b: {  	s3 =	rddreg [dreg:$0x2];
	[bflag:$0x3] =	sbarrier.arrive $0xFFFF;
	s2 =	simm.s32 @!p0 $0x1C01  }
0x8c: {  	[timem:s3], [sflag:s2] =	dma.local @!p0 [hbm:s0], s1  }
0x8d: {  	s0 =	simm.s32 @!p0 $0x1  }
0x8e: {  	_ =	swait.ge @!p0 [sflag:s0], s1  }
0x8f: {  	s1 =	ssub.s32 @!p0 $0x0, s1;
	[sflag:s0] =	ssyncset.done @!p0 $0x0  }
0x90: {  	[sflag:s0] =	ssyncadd.s32 @!p0 s1  }
0x91: {  	[bflag:$0x3] =	sbarrier.arrive $0xFFFF  }
0x92: {  	_ =	shalt  }

// kernel: sparse-core-data-format-call.cloned.1.call-start
scs
called_computation_lowered:
.L_overlay_start_0:
0x0: {  	s2 =	sld [smem:$0x3FD9]  }
0x1: {  	s3 =	sld [smem:$0x3FFE];
	_ =	sdelay $0x1  }
0x2: {  	s1 =	srdreg.scid  }
0x3: {  	s0 =	sand.u32 $0x1, s1  }
0x4: {  	s15 =	sshll.u32 s0, $0xA;
	s2 =	sadd.s32 s3, s2  }
0x5: {  	s2 =	sadd.s32 s2, s15  }
0x6: {  	[smem:$0x3FC4] =	sst s2  }
0x7: {  	_ = 	snop  }
0x8: {  	s2 =	sld [smem:$0x3FD0];
	_ =	sdelay $0x2  }
0x9: {  	s16 =	simm.s32 $0xB;
	s4 =	simm.s32 $0x10  }
0xa: {  	[smem:s4], [sflag:s16] =	dma.local [hbm:s2], $0x1  }
0xb: {  	_ =	swait.eq [sflag:s16], $0x1  }
0xc: {  	[sflag:s16] =	ssyncset.done $0x0  }
0xd: {  	[sflag:s16] =	ssyncadd.s32 $0xFFFFFFFF  }
0xe: {  	s17 =	sld [smem:$0x13];
	(tm) =	ssettm $0x1  }
0xf: {  	s18 =	sld [smem:$0x3FFB];
	_ =	sdelay $0x3  }
0x10: {  	_ =	strace s18  }
0x11: {  	s3 =	sld [smem:$0x3FFC];
	_ =	sdelay $0x3  }
0x12: {  	_ =	strace s3  }
0x13: {  	s3 =	sld [smem:$0x3FFD];
	_ =	sdelay $0x3  }
0x14: {  	_ =	strace s3  }
0x15: {  	_ =	strace $0x8FFFFFFF  }
0x16: {  	s19 =	sld [smem:$0x3FDB];
	_ =	sdelay $0x1  }
0x17: {  	s20 =	simm.s32 $_scs_section_size  }
0x18: {  	s5 =	simm.s32 $_size__tile_overlayer_lowered;
	s6 =	simm.s32 $_tile_overlayer_lowered  }
0x19: {  	s23 =	simm.s32 $0x1BFF;
	s22 =	sshll.u32 s6, $0x1;
	s3 =	sadd.s32 s20, s19  }
0x1a: {  	s7 =	simm.s32 $0x0;
	s21 =	sshll.u32 s5, $0x1;
	s5 =	sadd.s32 s22, s3  }
0x1b: {  	[timem:s7], [sflag:s23] =	dma.local [hbm:s5], s21  }
0x1c: {  	_ =	swait.ge [sflag:s23], s21  }
0x1d: {  	s4 =	ssub.s32 $0x0, s21;
	[sflag:s23] =	ssyncset.done $0x0  }
0x1e: {  	[sflag:s23] =	ssyncadd.s32 s4;
	_ =	sdelay $0x1  }
0x1f: {  	s24 =	simm.s32 $0x1B8B  }
0x20: {  	_ =	swait.ge [sflag:s24], $0x1  }
0x21: {  	[sflag:s24] =	ssyncset.done $0x0  }
0x22: {  	s26 =	simm.s32 $0x1B8E;
	s25 =	sld [smem:$0x3FFE];
	[sflag:s24] =	ssyncadd.s32 $0xFFFFFFFF  }
0x23: {  	s27 =	simm.s32 $execute0_lowered;
	[smem:$0x3FD2] =	sst s26  }
0x24: {  	s5 =	sshll.u32 s27, $0x1;
	_ =	strace $0x80000046;
	[dreg:$0x1] =	wrdreg $0xFFFFFFFF  }
0x25: {  	s28 =	simm.s32 $_size_execute0_lowered;
	s3 =	sadd.s32 s3, s5;
	[dreg:$0x0] =	wrdreg $0x0  }
0x26: {  	s5 =	sshll.u32 s28, $0x1;
	[dreg:$0x2] =	wrdreg s3  }
0x27: {  	[dreg:$0x3] =	wrdreg s5  }
0x28: {  	[dreg:$0x4] =	wrdreg $0xC0  }
0x29: {  	_ =	task [dreg:s7], $0x5FFFF  }
0x2a: {  	[dreg:$0x1] =	wrdreg $0xFFFFFFFF  }
0x2b: {  	[dreg:$0x0] =	wrdreg $0x60  }
0x2c: {  	[dreg:$0x2] =	wrdreg s25  }
0x2d: {  	[dreg:$0x3] =	wrdreg s17  }
0x2e: {  	[dreg:$0x4] =	wrdreg $0x9  }
0x2f: {  	_ =	task.clear_ibuf [dreg:s7], $0x5FFFF;
	_ =	strace $0x90000046  }
0x30: {  	s29 =	simm.s32 $0x9;
	_ =	strace $0x80000048  }
0x31: {  	_ =	swait.ge [sflag:s29], $0x1  }
0x32: {  	[sflag:s29] =	ssyncadd.s32 $0xFFFFFFFF  }
0x33: {  	_ =	strace $0x90000048  }
0x34: {  	_ =	sfence  }
0x35: {  	s30 =	sld [smem:$0x0];
	_ =	sdelay $0x2  }
0x36: {  	s31 =	sshll.u32 s1, $0xD;
	s1 =	sshrl.u32 s1, $0x2  }
0x37: {  	s3 =	sand.u32 $0x4000, s31;
	s1 =	sadd.s32 s1, s30  }
0x38: {  	s0 =	sor.u32 s3, s0;
	s1 =	sshll.u32 s1, $0x11  }
0x39: {  	s0 =	sor.u32 s1, s0  }
0x3a: {  	s0 =	sadd.s32 $0x8F2B, s0  }
0x3b: {  	[sflag:s0] =	ssyncadd.remote.s32 $0x1  }
0x3c: {  	_ =	sfence.sel $0xFFFF  }
0x3d: {  	[dreg:$0x0] =	wrdreg $0xFFFFFFFF;
	(pc) =	sbr.abs _section_cstart, $3  }
0x3e: {  	[dreg:$0x1] =	wrdreg $0xFFFFFFFF  }
0x3f: {  	_ =	task.clear_ibuf [dreg:s7], $0x2FFFF;
	_ =	strace $0x9FFFFFFF  }
0x40: {  	(tm) =	ssettm $0x7FFFFFFF  }
0x41: {  	_ =	shalt  }
tec
execute0_lowered:
.L_overlay_start_1:
0x0: {  	(tag) =	ssettag $0x1  }
0x1: {  	s0 =	srdreg.scid  }
0x2: {  	s5 =	rddreg [dreg:$0x0];
	s1 =	sshll.u32 s0, $0x4  }
0x3: {  	s2 =	rddreg [dreg:$0x1];
	s0 =	stileid.u32;
	s1 =	sand.u32 $0x10, s1  }
0x4: {  	s4 =	simm.s32 $0x1;
	s8 =	simm.s32 $0x2;
	s1 =	sor.u32 s0, s1  }
0x5: {  	s12 =	simm.s32 $0x0;
	s9 =	simm.s32 $0x0;
	s3 =	sshll.u32 s1, $0x7  }
0x6: {  	s11 =	simm.s32 $0x0;
	s5 =	sadd.s32 $0x1800, s5;
	s6 =	ssub.s32 $0x30D400, s3  }
.Ltmp0:
0x7: {  	s1 =	rddreg [dreg:$0x2];
	s7 =	sand.u32 $0xF80, s6;
	(pc) =	sbr.rel .LBB1_1-.Ltmp0, $4  }
0x8: {  	_ =	strace $0x80000047;
	p0 =	sne.s32 s7, $0x0;
	s7 =	simm.s32 $0x1  }
0x9: {  	[sflag:s4] =	ssyncpa.u1 $0x0;
	s6 =	sshrl.u32 s6, $0xC;
	s7 =	simm.s32 @!p0 $0x0  }
0xa: {  	s10 =	smov.u32 s3;
	[sflag:s8] =	ssyncpa.u1 $0x0;
	s6 =	sadd.s32 s7, s6  }
0xb: {  	s8 =	simm.s32 $0xC35000;
	p0 =	por $0x0, $0x0;
	s7 =	sadd.s32 $0x1, s6  }
.LBB1_4:
0xc: {  	s15 =	sshll.u32 s9, $0x2  }
0xd: {  	p1 =	sgt.s32 s9, $0x30D380;
	s16 =	sshrl.u32 s15, $0xA  }
0xe: {  	s17 =	smov.u32 s9;
	s18 =	sshra.s32 s9, $0x1F;
	s16 =	smulhi.u32 $0x53E2D7, s16  }
0xf: {  	s19 =	sand.u32 $0x7F, s9;
	s17 =	simm.s32 @!p1 $0x30D380;
	s18 =	sand.u32 s18, s9  }
0x10: {  	s15 =	sand.u32 $0xFFFFFE00, s15;
	s17 =	ssub.s32 s17, s18;
	s16 =	sshrl.u32 s16, $0x2  }
0x11: {  	s17 =	sadd.s32 $0xFFCF2C80, s17;
	s26 =	smul.u32 $0x30D400, s16  }
0x12: {  	s15 =	sor.u32 s19, s15;
	s27 =	sshll.u32 s17, $0x4;
	s16 =	sand.u32 $0x3, s16  }
0x13: {  	s28 =	ssub.s32 $0x800, s27;
	s16 =	smul.u32 $0x61A80, s16;
	s15 =	ssub.s32 s15, s26  }
0x14: {  	p1 =	sgt.s32 s17, $0x7F;
	s17 =	sshrl.u32 s28, $0x2;
	s29 =	sand.u32 $0x7, s15  }
0x15: {  	s15 =	sshrl.u32 s15, $0x3;
	s16 =	sadd.s32 s2, s16;
	s18 =	sshll.u32 s29, $0x12  }
0x16: {  	[tilespmem:s14+$0x0 ss:$0x81] =	vst.msk $0xffff, v0;
	s17 =	simm.s32 @p1 $0x0;
	s30 =	sadd.s32 s15, s16;
	s31 =	sor.u32 $0x200, s18  }
0x17: {  	[hbm4b:s30+s31] =	stream.strided.scatter [tilespmem:s13], [sflag:$0x2], s17, s8, s31, $0x20;
	[tilespmem:$0x4040] =	vst v63  }
.LBB1_5:
0x18: {  	p1 =	slt.u32 s11, $0x2  }
0x19: {  	p2 =	sgt.s32 @!p1 s12, $0x30D380  }
0x1a: {  	s13 =	smov.u32 s12;
	s14 =	sshra.s32 @!p1 s12, $0x1F;
	p2 =	por !p2, p1  }
0x1b: {  	s12 =	sand.u32 @!p1 s14, s12;
	s13 =	simm.s32 @p2 $0x30D380  }
0x1c: {  	s12 =	ssub.s32 @!p1 s13, s12  }
0x1d: {  	s12 =	sadd.s32 @!p1 $0xFFCF2C80, s12  }
0x1e: {  	s13 =	sshll.u32 @!p1 s12, $0x4  }
0x1f: {  	p2 =	sgt.s32 @!p1 s12, $0x7F;
	s12 =	ssub.s32 @!p1 $0x800, s13  }
0x20: {  	s14 =	sadd.s32 $0x1000, s10;
	p2 =	por !p2, p1;
	s12 =	sshrl.u32 @!p1 s12, $0x2  }
0x21: {  	s12 =	simm.s32 @!p2 $0x0;
	p2 =	sgt.s32 s14, $0x30D3FF  }
0x22: {  	s14 =	smov.u32 @p2 s3;
	p2 =	sne.s32 s11, s7  }
.Ltmp1:
0x23: {  	_ = 	snop;
	(pc) =	sbr.rel @!p2 .LBB1_6-.Ltmp1, $4  }
0x24: {  	s13 =	simm.s32 @!p1 $0x2  }
0x25: {  	p0 =	por !p0, !p0;
	_ =	swait.ge @!p1 [sflag:s13], s12;
	s15 =	ssub.s32 @!p1 $0x0, s12  }
0x26: {  	s12 =	smov.u32 s9;
	s11 =	sadd.s32 $0x1, s11;
	[sflag:s13] =	ssyncset.done @!p1 $0x0  }
0x27: {  	s9 =	smov.u32 s10;
	s10 =	smov.u32 s14;
	[sflag:s13] =	ssyncadd.s32 @!p1 s15  }
.LBB1_1:
0x28: {  	p1 =	sge.u32 s11, s6  }
0x29: {  	s13 =	sand.u32 @!p1 $0x1FFFFFF, s10  }
0x2a: {  	s14 =	smulhi.u32 @!p1 $0x14F8B59, s13;
	_ =	sdelay $0x1  }
0x2b: {  	s14 =	sshrl.u32 @!p1 s14, $0xE  }
0x2c: {  	s14 =	smul.u32 @!p1 $0x30D400, s14;
	_ =	sdelay $0x1  }
0x2d: {  	s31 =	sadd.s32 $0xFFFFFFFF, s11;
	s15 =	sxor.u32 @!p1 $0xFFFFFFFF, s11;
	s13 =	ssub.s32 @!p1 s13, s14  }
0x2e: {  	s16 =	simm.s32 @!p1 $0x80;
	s15 =	sshll.u32 @!p1 s15, $0xC;
	s13 =	sshll.u32 @!p1 s13, $0x4  }
0x2f: {  	s14 =	sand.u32 @!p1 $0x1000, s15;
	s15 =	simm.s32 @!p1 $0x20;
	s13 =	sadd.s32 @!p1 s5, s13  }
0x30: {  	[tilespmem:s14], [sflag:$0x1] =	stream.strided.gather @!p1 [hbm4b:s13+s15], $0x1000, s16, s15, $0x38;
	[tilespmem:$0x4040] =	vst v63  }
0x31: {  	p1 =	sge.u32 s31, s6  }
.Ltmp2:
0x32: {  	_ = 	snop;
	(pc) =	sbr.rel @p1 .LBB1_5-.Ltmp2, $1  }
0x33: {  	_ =	sdelay $0x3  }
0x34: {  	s13 =	simm.s32 $0x1  }
0x35: {  	_ =	swait.ge [sflag:s4], $0x1000;
	s13 =	simm.s32 @!p0 $0x0  }
0x36: {  	[sflag:s4] =	ssyncset.done $0x0;
	s14 =	sshll.u32 s13, $0xC  }
0x37: {  	[sflag:s4] =	ssyncadd.s32 $0xFFFFF000;
	s17 =	sor.u32 $0x10, s14  }
0x38: {  	s13 =	smul.u32 $0x4080, s13;
	v1 =	vld [tilespmem:s17+$0x0]  }
0x39: {  	s30 =	sand.u32 $0x1, s11;
	v0 =	vld [tilespmem:s17+$0xFFFFFFF0]  }
0x3a: {  	s14 =	smul.u32 $0x4080, s30;
	s13 =	sshrl.u32 s13, $0x2  }
0x3b: {  	s15 =	sor.u32 $0x2000, s13  }
0x3c: {  	s31 =	sshrl.u32 s14, $0x2;
	s14 =	sadd.s32 $0x0, s15  }
0x3d: {  	s16 =	simm.s32 $0x4;
	s17 =	sadd.s32 $0x20, s17;
	s13 =	sor.u32 $0x2000, s31;
	[tilespmem:s14+$0x810 ss:$0x81] =	vst.msk $0xffff, v1  }
.LBB1_3:
0x3e: {  	v1 =	vld [tilespmem:s17+$0x0];
	p1 =	sne.s32 s16, $0x1FC;
	[tilespmem:s14+$0x0 ss:$0x81] =	vst.msk $0xffff, v0;
	s14 =	smov.u32 s16;
	s16 =	sadd.s32 $0x4, s16  }
.Ltmp3:
0x3f: {  	v0 =	vld [tilespmem:s17+$0xFFFFFFF0];
	(pc) =	sbr.rel @p1 .LBB1_3-.Ltmp3, $4  }
0x40: {  	_ = 	snop  }
0x41: {  	s14 =	sshra.s32 s14, $0x2  }
0x42: {  	s14 =	sadd.s32 s14, s15  }
0x43: {  	s17 =	sadd.s32 $0x20, s17;
	[tilespmem:s14+$0x810 ss:$0x81] =	vst.msk $0xffff, v1  }
.Ltmp4:
0x44: {  	_ = 	snop;
	(pc) =	sbr.rel .LBB1_4-.Ltmp4, $1  }
0x45: {  	_ =	sdelay $0x3  }
.LBB1_6:
0x46: {  	_ =	sfence.sel $0x180000  }
0x47: {  	s2 =	simm.s32 $0x1;
	[bflag:$0x0] =	sbarrier.arrive $0xFFFF  }
0x48: {  	s31 =	simm.s32 $0x2;
	[sflag:s2] =	ssyncpa.u1 $0x1  }
0x49: {  	[sflag:s31] =	ssyncpa.u1 $0x1  }
0x4a: {  	p0 =	sne.s32 s0, $0x0;
	_ =	strace $0x90000047  }
0x4b: {  	s0 =	sadd.s32 @!p0 $0x100000, s1;
	[bflag:$0x2] =	sbarrier.arrive $0xFFFF  }
0x4c: {  	[sflag:s0] =	ssyncadd.tile.s32 @!p0 $0x1;
	_ =	shalt  }
.Lfunc_end1:
_tile_overlayer_lowered:
.L_overlay_start_2:
0x4d: {  	(tag) =	ssettag $0x2  }
0x4e: {  	s0 =	rddreg [dreg:$0x0];
	s2 =	stileid.u32  }
0x4f: {  	s1 =	rddreg [dreg:$0x1];
	p0 =	sne.s32 s2, $0x0  }
0x50: {  	s3 =	rddreg [dreg:$0x2];
	[bflag:$0x3] =	sbarrier.arrive $0xFFFF;
	s2 =	simm.s32 @!p0 $0x1C01  }
0x51: {  	[timem:s3], [sflag:s2] =	dma.local @!p0 [hbm:s0], s1  }
0x52: {  	s0 =	simm.s32 @!p0 $0x1  }
0x53: {  	_ =	swait.ge @!p0 [sflag:s0], s1  }
0x54: {  	s1 =	ssub.s32 @!p0 $0x0, s1;
	[sflag:s0] =	ssyncset.done @!p0 $0x0  }
0x55: {  	[sflag:s0] =	ssyncadd.s32 @!p0 s1  }
0x56: {  	[bflag:$0x3] =	sbarrier.arrive $0xFFFF  }
0x57: {  	_ =	shalt  }

</sc_bundles>
